<compile_context>
chip_gen: v7x
topology: tpu7x:2x2x1
jax: 0.10.2.dev20260603
libtpu: 0.0.44.dev20260713+nightly
codegen_flags: <defaults>
</compile_context>

<pallas_src>
import functools
import jax
import jax.numpy as jnp
from jax import lax
from jax.experimental import pallas as pl
from jax.experimental.pallas import tpu as pltpu
from jax.experimental.pallas import tpu_sc as plsc

NC = 2
NS = 16
NW = NC * NS
LANES = 16

D = 32
PADW = 128
GBUF = 8
SGRP = 4
SBUF = 2


def _body(w_hbm, idx_hbm, bias_hbm, out_hbm, idx_v, bias_v, rows_v, stage_v,
          gsem, ssem, *, bpw, hist):
    cid = lax.axis_index("c")
    sid = lax.axis_index("s")
    wid = sid * NC + cid
    grows = SGRP * hist

    pltpu.sync_copy(idx_hbm.at[pl.ds(wid * bpw * PADW, bpw * PADW)], idx_v)
    pltpu.sync_copy(bias_hbm, bias_v)
    b0 = bias_v[pl.ds(0, LANES)]
    b1 = bias_v[pl.ds(LANES, LANES)]

    def fire_gather(c, slot):
        pltpu.async_copy(w_hbm.at[idx_v.at[pl.ds(c * PADW, hist)]],
                         rows_v.at[slot], gsem.at[slot])

    def wait_gather(c, slot):
        pltpu.make_async_copy(w_hbm.at[idx_v.at[pl.ds(c * PADW, hist)]],
                              rows_v.at[slot], gsem.at[slot]).wait()

    def out_rows(grp):
        return pl.ds(wid * bpw * hist + grp * grows, grows)

    def fire_store(grp, slot):
        pltpu.async_copy(stage_v.at[slot], out_hbm.at[out_rows(grp)],
                         ssem.at[slot])

    def wait_store(grp, slot):
        pltpu.make_async_copy(stage_v.at[slot], out_hbm.at[out_rows(grp)],
                              ssem.at[slot]).wait()

    for b in range(GBUF):
        fire_gather(b, b)

    def iter_body(g, carry):
        gslot = g % GBUF
        grp = g // SGRP
        r = g % SGRP
        sslot = grp % SBUF

        @pl.when(jnp.logical_and(r == 0, grp >= SBUF))
        def _():
            wait_store(grp - SBUF, sslot)

        wait_gather(g, gslot)

        @plsc.parallel_loop(0, hist, unroll=10)
        def _(i):
            stage_v[sslot, r * hist + i, pl.ds(0, LANES)] = (
                rows_v[gslot, i, pl.ds(0, LANES)] + b0)
            stage_v[sslot, r * hist + i, pl.ds(LANES, LANES)] = (
                rows_v[gslot, i, pl.ds(LANES, LANES)] + b1)

        @pl.when(g + GBUF < bpw)
        def _():
            fire_gather(g + GBUF, gslot)

        @pl.when(r == SGRP - 1)
        def _():
            fire_store(grp, sslot)

        return carry

    lax.fori_loop(0, bpw, iter_body, 0)

    ngrp = bpw // SGRP
    for b in range(SBUF):
        grp = ngrp - SBUF + b
        wait_store(grp, grp % SBUF)


def kernel(input, weight, bias):
    idx = input.astype(jnp.int32)
    batch, hist = idx.shape
    n = batch * hist
    assert batch % (NW * SGRP) == 0
    bpw = batch // NW
    assert bpw >= GBUF and bpw % SGRP == 0

    idx_p = jnp.pad(idx, ((0, 0), (0, PADW - hist))).reshape(-1)

    mesh = plsc.VectorSubcoreMesh(core_axis_name="c", subcore_axis_name="s")
    run = pl.kernel(
        functools.partial(_body, bpw=bpw, hist=hist),
        out_type=jax.ShapeDtypeStruct((n, PADW), jnp.float32),
        mesh=mesh,
        scratch_types=[
            pltpu.VMEM((bpw * PADW,), jnp.int32),
            pltpu.VMEM((D,), jnp.float32),
            pltpu.VMEM((GBUF, hist, D), jnp.float32),
            pltpu.VMEM((SBUF, SGRP * hist, PADW), jnp.float32),
            pltpu.SemaphoreType.DMA((GBUF,)),
            pltpu.SemaphoreType.DMA((SBUF,)),
        ],
        compiler_params=pltpu.CompilerParams(use_tc_tiling_on_sc=False),
    )
    res = run(weight, idx_p, bias)
    return res[:, :D]

# --- scband reference (transcript-rebuilt; emitter-appended) ---
"""Pipeline reference for scband-embedding-with-bias-57990648430724 (READ-ONLY COPY).

The authoritative reference and input builder live on the scoring server;
editing this copy changes nothing except your own understanding.
"""

import jax, jax.numpy as jnp
import numpy as np

INPUT_DIM = 1000000
OUTPUT_DIM = 32
BATCH = 4096
HIST = 50

def setup_inputs(seed: int = 0) -> dict:
    key = jax.random.key(seed)
    k1, k2, k3 = jax.random.split(key, 3)
    input_idx = jax.random.randint(k1, (BATCH, HIST), 0, INPUT_DIM, dtype=jnp.int64) if jax.config.jax_enable_x64 else jax.random.randint(k1, (BATCH, HIST), 0, INPUT_DIM).astype(jnp.int32)
    weight = jax.random.normal(k2, (INPUT_DIM, OUTPUT_DIM), dtype=jnp.float32)
    stdv = 1.0 / np.sqrt(OUTPUT_DIM)
    bias = jax.random.uniform(k3, (OUTPUT_DIM,), dtype=jnp.float32, minval=-stdv, maxval=stdv)
    return {"input": input_idx, "weight": weight, "bias": bias}

def reference(input, weight, bias):
    # Original loops over dim 0, gathers weight[input[i]] + bias, then cats along 0.
    # Equivalent to flattening the leading dims and gathering.
    flat = input.reshape(-1)
    gathered = jnp.take(weight, flat, axis=0)
    return gathered + bias

if __name__ == "__main__":
    import jax
    _d = setup_inputs()
    print(jax.jit(kernel)(*tuple(_d.values())))

</pallas_src>

<mosaic_0001>
#map = affine_map<(d0, d1) -> (0, 0)>
#map1 = affine_map<(d0, d1) -> (0)>
module attributes {stable_mosaic.version = 14 : i64} {
  func.func @_body(%arg0: i32, %arg1: i32, %arg2: memref<1000000x32xf32, #tpu.memory_space<hbm>>, %arg3: memref<524288xi32, #tpu.memory_space<hbm>>, %arg4: memref<32xf32, #tpu.memory_space<hbm>>, %arg5: memref<204800x128xf32, #tpu.memory_space<hbm>>, %arg6: memref<16384xi32, #tpu.memory_space<vmem>>, %arg7: memref<32xf32, #tpu.memory_space<vmem>>, %arg8: memref<8x50x32xf32, #tpu.memory_space<vmem>>, %arg9: memref<2x200x128xf32, #tpu.memory_space<vmem>>, %arg10: memref<8x!tpu.dma_semaphore, #tpu.memory_space<semaphore_mem>>, %arg11: memref<2x!tpu.dma_semaphore, #tpu.memory_space<semaphore_mem>>) attributes {dimension_semantics = [#tpu.dimension_semantics<core_parallel>, #tpu.dimension_semantics<subcore_parallel>], iteration_bounds = array<i64: 2, 16>, scalar_prefetch = 0 : i64, scratch_operands = 6 : i64, tpu.core_type = #tpu.core_type<sc_vector_subcore>, window_params = [{transform_indices = #map}, {transform_indices = #map1}, {transform_indices = #map1}, {transform_indices = #map}]} {
    %mul3A = arith.constant 2 : i32
    %mul3A_0 = arith.muli %arg1, %mul3A : i32
    %add3A = arith.addi %mul3A_0, %arg0 : i32
    %mul3A_1 = arith.constant 128 : i32
    %mul3A_2 = arith.muli %add3A, %mul3A_1 : i32
    %mul3A_3 = arith.constant 128 : i32
    %mul3A_4 = arith.muli %mul3A_2, %mul3A_3 : i32
    "tpu.region"() ({
      %run_scoped3A = tpu.sem_alloc : memref<!tpu.dma_semaphore, #tpu.memory_space<semaphore_mem>>
      %dma_start3A_161 = tpu.memref_slice %arg3[%mul3A_4] : memref<524288xi32, #tpu.memory_space<hbm>> -> memref<16384xi32, #tpu.memory_space<hbm>>
      %dma_start3A_162 = tpu.memref_slice %arg3[%mul3A_4] : memref<524288xi32, #tpu.memory_space<hbm>> -> memref<16384xi32, #tpu.memory_space<hbm>>
      tpu.enqueue_dma source(%dma_start3A_162 : memref<16384xi32, #tpu.memory_space<hbm>>) target(%arg6 : memref<16384xi32, #tpu.memory_space<vmem>>) target_semaphore(%run_scoped3A : memref<!tpu.dma_semaphore, #tpu.memory_space<semaphore_mem>>)
      %dma_wait3A_163 = tpu.memref_slice %arg3[%mul3A_4] : memref<524288xi32, #tpu.memory_space<hbm>> -> memref<16384xi32, #tpu.memory_space<hbm>>
      %dma_wait3A_164 = tpu.memref_slice %arg3[%mul3A_4] : memref<524288xi32, #tpu.memory_space<hbm>> -> memref<16384xi32, #tpu.memory_space<hbm>>
      tpu.wait_dma2 semaphore(%run_scoped3A : memref<!tpu.dma_semaphore, #tpu.memory_space<semaphore_mem>>) src(%dma_wait3A_164 : memref<16384xi32, #tpu.memory_space<hbm>>) dst(%arg6 : memref<16384xi32, #tpu.memory_space<vmem>>)
      tpu.yield
    }) : () -> ()
    "tpu.region"() ({
      %run_scoped3A = tpu.sem_alloc : memref<!tpu.dma_semaphore, #tpu.memory_space<semaphore_mem>>
      tpu.enqueue_dma source(%arg4 : memref<32xf32, #tpu.memory_space<hbm>>) target(%arg7 : memref<32xf32, #tpu.memory_space<vmem>>) target_semaphore(%run_scoped3A : memref<!tpu.dma_semaphore, #tpu.memory_space<semaphore_mem>>)
      tpu.wait_dma2 semaphore(%run_scoped3A : memref<!tpu.dma_semaphore, #tpu.memory_space<semaphore_mem>>) src(%arg4 : memref<32xf32, #tpu.memory_space<hbm>>) dst(%arg7 : memref<32xf32, #tpu.memory_space<vmem>>)
      tpu.yield
    }) : () -> ()
    %get3A = arith.constant 0 : index
    %get3A_5 = tpu.vector_load %arg7[%get3A] {strides = array<i32>} : memref<32xf32, #tpu.memory_space<vmem>>, vector<16xf32>,
    %get3A_6 = vector.shape_cast %get3A_5 : vector<16xf32> to vector<16xf32>
    %get3A_7 = arith.constant 16 : index
    %get3A_8 = tpu.vector_load %arg7[%get3A_7] {strides = array<i32>} : memref<32xf32, #tpu.memory_space<vmem>>, vector<16xf32>,
    %get3A_9 = vector.shape_cast %get3A_8 : vector<16xf32> to vector<16xf32>
    %dma_start3A = arith.constant 0 : i32
    %dma_start3A_10 = arith.constant 0 : i32
    %dma_start3A_11 = arith.constant 0 : i32
    %dma_start3A_12 = arith.constant 0 : i32
    %dma_start3A_13 = tpu.memref_slice %arg8[%dma_start3A, %dma_start3A_11, %dma_start3A_12] : memref<8x50x32xf32, #tpu.memory_space<vmem>> -> memref<1x50x32xf32, #tpu.memory_space<vmem>>
    %dma_start3A_14 = tpu.memref_squeeze %dma_start3A_13 : memref<1x50x32xf32, #tpu.memory_space<vmem>> -> memref<50x32xf32, #tpu.memory_space<vmem>>
    %dma_start3A_15 = arith.constant 0 : i32
    %dma_start3A_16 = tpu.memref_slice %arg6[%dma_start3A_15] : memref<16384xi32, #tpu.memory_space<vmem>> -> memref<50xi32, #tpu.memory_space<vmem>>
    %dma_start3A_17 = arith.constant 0 : i32
    %dma_start3A_18 = arith.constant 0 : i32
    %dma_start3A_19 = tpu.memref_slice %arg2[%dma_start3A_17, %dma_start3A_18] : memref<1000000x32xf32, #tpu.memory_space<hbm>> -> memref<1000000x32xf32, #tpu.memory_space<hbm>>
    %dma_start3A_20 = tpu.memref_slice %arg10[%dma_start3A_10] : memref<8x!tpu.dma_semaphore, #tpu.memory_space<semaphore_mem>> -> memref<1x!tpu.dma_semaphore, #tpu.memory_space<semaphore_mem>>
    %dma_start3A_21 = tpu.memref_squeeze %dma_start3A_20 : memref<1x!tpu.dma_semaphore, #tpu.memory_space<semaphore_mem>> -> memref<!tpu.dma_semaphore, #tpu.memory_space<semaphore_mem>>
    tpu.enqueue_indirect_dma source(%dma_start3A_19 : memref<1000000x32xf32, #tpu.memory_space<hbm>>) target(%dma_start3A_14 : memref<50x32xf32, #tpu.memory_space<vmem>>) offsets(%dma_start3A_16 : memref<50xi32, #tpu.memory_space<vmem>>) semaphore(%dma_start3A_21 : memref<!tpu.dma_semaphore, #tpu.memory_space<semaphore_mem>>)
    %dma_start3A_22 = arith.constant 1 : i32
    %dma_start3A_23 = arith.constant 1 : i32
    %dma_start3A_24 = arith.constant 0 : i32
    %dma_start3A_25 = arith.constant 0 : i32
    %dma_start3A_26 = tpu.memref_slice %arg8[%dma_start3A_22, %dma_start3A_24, %dma_start3A_25] : memref<8x50x32xf32, #tpu.memory_space<vmem>> -> memref<1x50x32xf32, #tpu.memory_space<vmem>>
    %dma_start3A_27 = tpu.memref_squeeze %dma_start3A_26 : memref<1x50x32xf32, #tpu.memory_space<vmem>> -> memref<50x32xf32, #tpu.memory_space<vmem>>
    %dma_start3A_28 = arith.constant 128 : i32
    %dma_start3A_29 = tpu.memref_slice %arg6[%dma_start3A_28] : memref<16384xi32, #tpu.memory_space<vmem>> -> memref<50xi32, #tpu.memory_space<vmem>>
    %dma_start3A_30 = arith.constant 0 : i32
    %dma_start3A_31 = arith.constant 0 : i32
    %dma_start3A_32 = tpu.memref_slice %arg2[%dma_start3A_30, %dma_start3A_31] : memref<1000000x32xf32, #tpu.memory_space<hbm>> -> memref<1000000x32xf32, #tpu.memory_space<hbm>>
    %dma_start3A_33 = tpu.memref_slice %arg10[%dma_start3A_23] : memref<8x!tpu.dma_semaphore, #tpu.memory_space<semaphore_mem>> -> memref<1x!tpu.dma_semaphore, #tpu.memory_space<semaphore_mem>>
    %dma_start3A_34 = tpu.memref_squeeze %dma_start3A_33 : memref<1x!tpu.dma_semaphore, #tpu.memory_space<semaphore_mem>> -> memref<!tpu.dma_semaphore, #tpu.memory_space<semaphore_mem>>
    tpu.enqueue_indirect_dma source(%dma_start3A_32 : memref<1000000x32xf32, #tpu.memory_space<hbm>>) target(%dma_start3A_27 : memref<50x32xf32, #tpu.memory_space<vmem>>) offsets(%dma_start3A_29 : memref<50xi32, #tpu.memory_space<vmem>>) semaphore(%dma_start3A_34 : memref<!tpu.dma_semaphore, #tpu.memory_space<semaphore_mem>>)
    %dma_start3A_35 = arith.constant 2 : i32
    %dma_start3A_36 = arith.constant 2 : i32
    %dma_start3A_37 = arith.constant 0 : i32
    %dma_start3A_38 = arith.constant 0 : i32
    %dma_start3A_39 = tpu.memref_slice %arg8[%dma_start3A_35, %dma_start3A_37, %dma_start3A_38] : memref<8x50x32xf32, #tpu.memory_space<vmem>> -> memref<1x50x32xf32, #tpu.memory_space<vmem>>
    %dma_start3A_40 = tpu.memref_squeeze %dma_start3A_39 : memref<1x50x32xf32, #tpu.memory_space<vmem>> -> memref<50x32xf32, #tpu.memory_space<vmem>>
    %dma_start3A_41 = arith.constant 256 : i32
    %dma_start3A_42 = tpu.memref_slice %arg6[%dma_start3A_41] : memref<16384xi32, #tpu.memory_space<vmem>> -> memref<50xi32, #tpu.memory_space<vmem>>
    %dma_start3A_43 = arith.constant 0 : i32
    %dma_start3A_44 = arith.constant 0 : i32
    %dma_start3A_45 = tpu.memref_slice %arg2[%dma_start3A_43, %dma_start3A_44] : memref<1000000x32xf32, #tpu.memory_space<hbm>> -> memref<1000000x32xf32, #tpu.memory_space<hbm>>
    %dma_start3A_46 = tpu.memref_slice %arg10[%dma_start3A_36] : memref<8x!tpu.dma_semaphore, #tpu.memory_space<semaphore_mem>> -> memref<1x!tpu.dma_semaphore, #tpu.memory_space<semaphore_mem>>
    %dma_start3A_47 = tpu.memref_squeeze %dma_start3A_46 : memref<1x!tpu.dma_semaphore, #tpu.memory_space<semaphore_mem>> -> memref<!tpu.dma_semaphore, #tpu.memory_space<semaphore_mem>>
    tpu.enqueue_indirect_dma source(%dma_start3A_45 : memref<1000000x32xf32, #tpu.memory_space<hbm>>) target(%dma_start3A_40 : memref<50x32xf32, #tpu.memory_space<vmem>>) offsets(%dma_start3A_42 : memref<50xi32, #tpu.memory_space<vmem>>) semaphore(%dma_start3A_47 : memref<!tpu.dma_semaphore, #tpu.memory_space<semaphore_mem>>)
    %dma_start3A_48 = arith.constant 3 : i32
    %dma_start3A_49 = arith.constant 3 : i32
    %dma_start3A_50 = arith.constant 0 : i32
    %dma_start3A_51 = arith.constant 0 : i32
    %dma_start3A_52 = tpu.memref_slice %arg8[%dma_start3A_48, %dma_start3A_50, %dma_start3A_51] : memref<8x50x32xf32, #tpu.memory_space<vmem>> -> memref<1x50x32xf32, #tpu.memory_space<vmem>>
    %dma_start3A_53 = tpu.memref_squeeze %dma_start3A_52 : memref<1x50x32xf32, #tpu.memory_space<vmem>> -> memref<50x32xf32, #tpu.memory_space<vmem>>
    %dma_start3A_54 = arith.constant 384 : i32
    %dma_start3A_55 = tpu.memref_slice %arg6[%dma_start3A_54] : memref<16384xi32, #tpu.memory_space<vmem>> -> memref<50xi32, #tpu.memory_space<vmem>>
    %dma_start3A_56 = arith.constant 0 : i32
    %dma_start3A_57 = arith.constant 0 : i32
    %dma_start3A_58 = tpu.memref_slice %arg2[%dma_start3A_56, %dma_start3A_57] : memref<1000000x32xf32, #tpu.memory_space<hbm>> -> memref<1000000x32xf32, #tpu.memory_space<hbm>>
    %dma_start3A_59 = tpu.memref_slice %arg10[%dma_start3A_49] : memref<8x!tpu.dma_semaphore, #tpu.memory_space<semaphore_mem>> -> memref<1x!tpu.dma_semaphore, #tpu.memory_space<semaphore_mem>>
    %dma_start3A_60 = tpu.memref_squeeze %dma_start3A_59 : memref<1x!tpu.dma_semaphore, #tpu.memory_space<semaphore_mem>> -> memref<!tpu.dma_semaphore, #tpu.memory_space<semaphore_mem>>
    tpu.enqueue_indirect_dma source(%dma_start3A_58 : memref<1000000x32xf32, #tpu.memory_space<hbm>>) target(%dma_start3A_53 : memref<50x32xf32, #tpu.memory_space<vmem>>) offsets(%dma_start3A_55 : memref<50xi32, #tpu.memory_space<vmem>>) semaphore(%dma_start3A_60 : memref<!tpu.dma_semaphore, #tpu.memory_space<semaphore_mem>>)
    %dma_start3A_61 = arith.constant 4 : i32
    %dma_start3A_62 = arith.constant 4 : i32
    %dma_start3A_63 = arith.constant 0 : i32
    %dma_start3A_64 = arith.constant 0 : i32
    %dma_start3A_65 = tpu.memref_slice %arg8[%dma_start3A_61, %dma_start3A_63, %dma_start3A_64] : memref<8x50x32xf32, #tpu.memory_space<vmem>> -> memref<1x50x32xf32, #tpu.memory_space<vmem>>
    %dma_start3A_66 = tpu.memref_squeeze %dma_start3A_65 : memref<1x50x32xf32, #tpu.memory_space<vmem>> -> memref<50x32xf32, #tpu.memory_space<vmem>>
    %dma_start3A_67 = arith.constant 512 : i32
    %dma_start3A_68 = tpu.memref_slice %arg6[%dma_start3A_67] : memref<16384xi32, #tpu.memory_space<vmem>> -> memref<50xi32, #tpu.memory_space<vmem>>
    %dma_start3A_69 = arith.constant 0 : i32
    %dma_start3A_70 = arith.constant 0 : i32
    %dma_start3A_71 = tpu.memref_slice %arg2[%dma_start3A_69, %dma_start3A_70] : memref<1000000x32xf32, #tpu.memory_space<hbm>> -> memref<1000000x32xf32, #tpu.memory_space<hbm>>
    %dma_start3A_72 = tpu.memref_slice %arg10[%dma_start3A_62] : memref<8x!tpu.dma_semaphore, #tpu.memory_space<semaphore_mem>> -> memref<1x!tpu.dma_semaphore, #tpu.memory_space<semaphore_mem>>
    %dma_start3A_73 = tpu.memref_squeeze %dma_start3A_72 : memref<1x!tpu.dma_semaphore, #tpu.memory_space<semaphore_mem>> -> memref<!tpu.dma_semaphore, #tpu.memory_space<semaphore_mem>>
    tpu.enqueue_indirect_dma source(%dma_start3A_71 : memref<1000000x32xf32, #tpu.memory_space<hbm>>) target(%dma_start3A_66 : memref<50x32xf32, #tpu.memory_space<vmem>>) offsets(%dma_start3A_68 : memref<50xi32, #tpu.memory_space<vmem>>) semaphore(%dma_start3A_73 : memref<!tpu.dma_semaphore, #tpu.memory_space<semaphore_mem>>)
    %dma_start3A_74 = arith.constant 5 : i32
    %dma_start3A_75 = arith.constant 5 : i32
    %dma_start3A_76 = arith.constant 0 : i32
    %dma_start3A_77 = arith.constant 0 : i32
    %dma_start3A_78 = tpu.memref_slice %arg8[%dma_start3A_74, %dma_start3A_76, %dma_start3A_77] : memref<8x50x32xf32, #tpu.memory_space<vmem>> -> memref<1x50x32xf32, #tpu.memory_space<vmem>>
    %dma_start3A_79 = tpu.memref_squeeze %dma_start3A_78 : memref<1x50x32xf32, #tpu.memory_space<vmem>> -> memref<50x32xf32, #tpu.memory_space<vmem>>
    %dma_start3A_80 = arith.constant 640 : i32
    %dma_start3A_81 = tpu.memref_slice %arg6[%dma_start3A_80] : memref<16384xi32, #tpu.memory_space<vmem>> -> memref<50xi32, #tpu.memory_space<vmem>>
    %dma_start3A_82 = arith.constant 0 : i32
    %dma_start3A_83 = arith.constant 0 : i32
    %dma_start3A_84 = tpu.memref_slice %arg2[%dma_start3A_82, %dma_start3A_83] : memref<1000000x32xf32, #tpu.memory_space<hbm>> -> memref<1000000x32xf32, #tpu.memory_space<hbm>>
    %dma_start3A_85 = tpu.memref_slice %arg10[%dma_start3A_75] : memref<8x!tpu.dma_semaphore, #tpu.memory_space<semaphore_mem>> -> memref<1x!tpu.dma_semaphore, #tpu.memory_space<semaphore_mem>>
    %dma_start3A_86 = tpu.memref_squeeze %dma_start3A_85 : memref<1x!tpu.dma_semaphore, #tpu.memory_space<semaphore_mem>> -> memref<!tpu.dma_semaphore, #tpu.memory_space<semaphore_mem>>
    tpu.enqueue_indirect_dma source(%dma_start3A_84 : memref<1000000x32xf32, #tpu.memory_space<hbm>>) target(%dma_start3A_79 : memref<50x32xf32, #tpu.memory_space<vmem>>) offsets(%dma_start3A_81 : memref<50xi32, #tpu.memory_space<vmem>>) semaphore(%dma_start3A_86 : memref<!tpu.dma_semaphore, #tpu.memory_space<semaphore_mem>>)
    %dma_start3A_87 = arith.constant 6 : i32
    %dma_start3A_88 = arith.constant 6 : i32
    %dma_start3A_89 = arith.constant 0 : i32
    %dma_start3A_90 = arith.constant 0 : i32
    %dma_start3A_91 = tpu.memref_slice %arg8[%dma_start3A_87, %dma_start3A_89, %dma_start3A_90] : memref<8x50x32xf32, #tpu.memory_space<vmem>> -> memref<1x50x32xf32, #tpu.memory_space<vmem>>
    %dma_start3A_92 = tpu.memref_squeeze %dma_start3A_91 : memref<1x50x32xf32, #tpu.memory_space<vmem>> -> memref<50x32xf32, #tpu.memory_space<vmem>>
    %dma_start3A_93 = arith.constant 768 : i32
    %dma_start3A_94 = tpu.memref_slice %arg6[%dma_start3A_93] : memref<16384xi32, #tpu.memory_space<vmem>> -> memref<50xi32, #tpu.memory_space<vmem>>
    %dma_start3A_95 = arith.constant 0 : i32
    %dma_start3A_96 = arith.constant 0 : i32
    %dma_start3A_97 = tpu.memref_slice %arg2[%dma_start3A_95, %dma_start3A_96] : memref<1000000x32xf32, #tpu.memory_space<hbm>> -> memref<1000000x32xf32, #tpu.memory_space<hbm>>
    %dma_start3A_98 = tpu.memref_slice %arg10[%dma_start3A_88] : memref<8x!tpu.dma_semaphore, #tpu.memory_space<semaphore_mem>> -> memref<1x!tpu.dma_semaphore, #tpu.memory_space<semaphore_mem>>
    %dma_start3A_99 = tpu.memref_squeeze %dma_start3A_98 : memref<1x!tpu.dma_semaphore, #tpu.memory_space<semaphore_mem>> -> memref<!tpu.dma_semaphore, #tpu.memory_space<semaphore_mem>>
    tpu.enqueue_indirect_dma source(%dma_start3A_97 : memref<1000000x32xf32, #tpu.memory_space<hbm>>) target(%dma_start3A_92 : memref<50x32xf32, #tpu.memory_space<vmem>>) offsets(%dma_start3A_94 : memref<50xi32, #tpu.memory_space<vmem>>) semaphore(%dma_start3A_99 : memref<!tpu.dma_semaphore, #tpu.memory_space<semaphore_mem>>)
    %dma_start3A_100 = arith.constant 7 : i32
    %dma_start3A_101 = arith.constant 7 : i32
    %dma_start3A_102 = arith.constant 0 : i32
    %dma_start3A_103 = arith.constant 0 : i32
    %dma_start3A_104 = tpu.memref_slice %arg8[%dma_start3A_100, %dma_start3A_102, %dma_start3A_103] : memref<8x50x32xf32, #tpu.memory_space<vmem>> -> memref<1x50x32xf32, #tpu.memory_space<vmem>>
    %dma_start3A_105 = tpu.memref_squeeze %dma_start3A_104 : memref<1x50x32xf32, #tpu.memory_space<vmem>> -> memref<50x32xf32, #tpu.memory_space<vmem>>
    %dma_start3A_106 = arith.constant 896 : i32
    %dma_start3A_107 = tpu.memref_slice %arg6[%dma_start3A_106] : memref<16384xi32, #tpu.memory_space<vmem>> -> memref<50xi32, #tpu.memory_space<vmem>>
    %dma_start3A_108 = arith.constant 0 : i32
    %dma_start3A_109 = arith.constant 0 : i32
    %dma_start3A_110 = tpu.memref_slice %arg2[%dma_start3A_108, %dma_start3A_109] : memref<1000000x32xf32, #tpu.memory_space<hbm>> -> memref<1000000x32xf32, #tpu.memory_space<hbm>>
    %dma_start3A_111 = tpu.memref_slice %arg10[%dma_start3A_101] : memref<8x!tpu.dma_semaphore, #tpu.memory_space<semaphore_mem>> -> memref<1x!tpu.dma_semaphore, #tpu.memory_space<semaphore_mem>>
    %dma_start3A_112 = tpu.memref_squeeze %dma_start3A_111 : memref<1x!tpu.dma_semaphore, #tpu.memory_space<semaphore_mem>> -> memref<!tpu.dma_semaphore, #tpu.memory_space<semaphore_mem>>
    tpu.enqueue_indirect_dma source(%dma_start3A_110 : memref<1000000x32xf32, #tpu.memory_space<hbm>>) target(%dma_start3A_105 : memref<50x32xf32, #tpu.memory_space<vmem>>) offsets(%dma_start3A_107 : memref<50xi32, #tpu.memory_space<vmem>>) semaphore(%dma_start3A_112 : memref<!tpu.dma_semaphore, #tpu.memory_space<semaphore_mem>>)
    %scan3A = arith.constant 0 : i32
    %scan3A_113 = arith.constant 0 : i32
    %scan3A_114 = arith.constant 128 : i32
    %scan3A_115 = arith.addi %scan3A_113, %scan3A_114 : i32
    %scan3A_116 = arith.constant 1 : i32
    scf.for %scan3A_161 = %scan3A_113 to %scan3A_115 step %scan3A_116  : i32 {
      %jit3A = arith.constant 8 : i32
      %eq3A = arith.constant 0 : i32
      %eq3A_162 = arith.cmpi eq, %jit3A, %eq3A : i32
      %jit3A_163 = arith.constant 1 : i32
      %select_n3A = arith.select %eq3A_162, %jit3A_163, %jit3A : i32
      %rem3A = arith.remsi %scan3A_161, %select_n3A : i32
      %ne3A = arith.constant 0 : i32
      %ne3A_164 = arith.cmpi ne, %rem3A, %ne3A : i32
      %lt3A = arith.constant 0 : i32
      %lt3A_165 = arith.cmpi slt, %rem3A, %lt3A : i32
      %lt3A_166 = arith.constant 0 : i32
      %lt3A_167 = arith.cmpi slt, %select_n3A, %lt3A_166 : i32
      %ne3A_168 = arith.xori %lt3A_165, %lt3A_167 : i1
      %and3A = arith.andi %ne3A_168, %ne3A_164 : i1
      %add3A_169 = arith.addi %rem3A, %select_n3A : i32
      %select_n3A_170 = arith.select %and3A, %add3A_169, %rem3A : i32
      %jit3A_171 = arith.constant 4 : i32
      %div3A = arith.divsi %scan3A_161, %jit3A_171 : i32
      %sign3A = arith.constant 0 : i32
      %sign3A_172 = arith.cmpi sgt, %scan3A_161, %sign3A : i32
      %sign3A_173 = arith.extui %sign3A_172 : i1 to i32
      %sign3A_174 = arith.constant 0 : i32
      %sign3A_175 = arith.cmpi slt, %scan3A_161, %sign3A_174 : i32
      %sign3A_176 = arith.extui %sign3A_175 : i1 to i32
      %sign3A_177 = arith.subi %sign3A_173, %sign3A_176 : i32
      %sign3A_178 = arith.constant 0 : i32
      %sign3A_179 = arith.cmpi sgt, %jit3A_171, %sign3A_178 : i32
      %sign3A_180 = arith.extui %sign3A_179 : i1 to i32
      %sign3A_181 = arith.constant 0 : i32
      %sign3A_182 = arith.cmpi slt, %jit3A_171, %sign3A_181 : i32
      %sign3A_183 = arith.extui %sign3A_182 : i1 to i32
      %sign3A_184 = arith.subi %sign3A_180, %sign3A_183 : i32
      %ne3A_185 = arith.cmpi ne, %sign3A_177, %sign3A_184 : i32
      %rem3A_186 = arith.remsi %scan3A_161, %jit3A_171 : i32
      %ne3A_187 = arith.constant 0 : i32
      %ne3A_188 = arith.cmpi ne, %rem3A_186, %ne3A_187 : i32
      %and3A_189 = arith.andi %ne3A_185, %ne3A_188 : i1
      %sub3A = arith.constant 1 : i32
      %sub3A_190 = arith.subi %div3A, %sub3A : i32
      %select_n3A_191 = arith.select %and3A_189, %sub3A_190, %div3A : i32
      %jit3A_192 = arith.constant 4 : i32
      %eq3A_193 = arith.constant 0 : i32
      %eq3A_194 = arith.cmpi eq, %jit3A_192, %eq3A_193 : i32
      %jit3A_195 = arith.constant 1 : i32
      %select_n3A_196 = arith.select %eq3A_194, %jit3A_195, %jit3A_192 : i32
      %rem3A_197 = arith.remsi %scan3A_161, %select_n3A_196 : i32
      %ne3A_198 = arith.constant 0 : i32
      %ne3A_199 = arith.cmpi ne, %rem3A_197, %ne3A_198 : i32
      %lt3A_200 = arith.constant 0 : i32
      %lt3A_201 = arith.cmpi slt, %rem3A_197, %lt3A_200 : i32
      %lt3A_202 = arith.constant 0 : i32
      %lt3A_203 = arith.cmpi slt, %select_n3A_196, %lt3A_202 : i32
      %ne3A_204 = arith.xori %lt3A_201, %lt3A_203 : i1
      %and3A_205 = arith.andi %ne3A_204, %ne3A_199 : i1
      %add3A_206 = arith.addi %rem3A_197, %select_n3A_196 : i32
      %select_n3A_207 = arith.select %and3A_205, %add3A_206, %rem3A_197 : i32
      %jit3A_208 = arith.constant 2 : i32
      %eq3A_209 = arith.constant 0 : i32
      %eq3A_210 = arith.cmpi eq, %jit3A_208, %eq3A_209 : i32
      %jit3A_211 = arith.constant 1 : i32
      %select_n3A_212 = arith.select %eq3A_210, %jit3A_211, %jit3A_208 : i32
      %rem3A_213 = arith.remsi %select_n3A_191, %select_n3A_212 : i32
      %ne3A_214 = arith.constant 0 : i32
      %ne3A_215 = arith.cmpi ne, %rem3A_213, %ne3A_214 : i32
      %lt3A_216 = arith.constant 0 : i32
      %lt3A_217 = arith.cmpi slt, %rem3A_213, %lt3A_216 : i32
      %lt3A_218 = arith.constant 0 : i32
      %lt3A_219 = arith.cmpi slt, %select_n3A_212, %lt3A_218 : i32
      %ne3A_220 = arith.xori %lt3A_217, %lt3A_219 : i1
      %and3A_221 = arith.andi %ne3A_220, %ne3A_215 : i1
      %add3A_222 = arith.addi %rem3A_213, %select_n3A_212 : i32
      %select_n3A_223 = arith.select %and3A_221, %add3A_222, %rem3A_213 : i32
      %eq3A_224 = arith.constant 0 : i32
      %eq3A_225 = arith.cmpi eq, %select_n3A_207, %eq3A_224 : i32
      %ge3A = arith.constant 2 : i32
      %ge3A_226 = arith.cmpi sge, %select_n3A_191, %ge3A : i32
      %and3A_227 = arith.andi %eq3A_225, %ge3A_226 : i1
      %convert_element_type3A = arith.extui %and3A_227 : i1 to i32
      %cond3A = arith.constant 0 : i32
      %cond3A_228 = arith.cmpi ne, %convert_element_type3A, %cond3A : i32
      scf.if %cond3A_228 {
        %sub3A_255 = arith.constant 2 : i32
        %sub3A_256 = arith.subi %select_n3A_191, %sub3A_255 : i32
        %mul3A_257 = arith.constant 128 : i32
        %mul3A_258 = arith.muli %add3A, %mul3A_257 : i32
        %mul3A_259 = arith.constant 50 : i32
        %mul3A_260 = arith.muli %mul3A_258, %mul3A_259 : i32
        %mul3A_261 = arith.constant 200 : i32
        %mul3A_262 = arith.muli %sub3A_256, %mul3A_261 : i32
        %add3A_263 = arith.addi %mul3A_260, %mul3A_262 : i32
        %dma_wait3A_264 = arith.constant 0 : i32
        %dma_wait3A_265 = arith.constant 0 : i32
        %dma_wait3A_266 = tpu.memref_slice %arg9[%select_n3A_223, %dma_wait3A_264, %dma_wait3A_265] : memref<2x200x128xf32, #tpu.memory_space<vmem>> -> memref<1x200x128xf32, #tpu.memory_space<vmem>>
        %dma_wait3A_267 = tpu.memref_squeeze %dma_wait3A_266 : memref<1x200x128xf32, #tpu.memory_space<vmem>> -> memref<200x128xf32, #tpu.memory_space<vmem>>
        %dma_wait3A_268 = arith.constant 0 : i32
        %dma_wait3A_269 = tpu.memref_slice %arg5[%add3A_263, %dma_wait3A_268] : memref<204800x128xf32, #tpu.memory_space<hbm>> -> memref<200x128xf32, #tpu.memory_space<hbm>>
        %dma_wait3A_270 = tpu.memref_slice %arg11[%select_n3A_223] : memref<2x!tpu.dma_semaphore, #tpu.memory_space<semaphore_mem>> -> memref<1x!tpu.dma_semaphore, #tpu.memory_space<semaphore_mem>>
        %dma_wait3A_271 = tpu.memref_squeeze %dma_wait3A_270 : memref<1x!tpu.dma_semaphore, #tpu.memory_space<semaphore_mem>> -> memref<!tpu.dma_semaphore, #tpu.memory_space<semaphore_mem>>
        %dma_wait3A_272 = arith.constant 0 : i32
        %dma_wait3A_273 = tpu.memref_slice %arg5[%add3A_263, %dma_wait3A_272] : memref<204800x128xf32, #tpu.memory_space<hbm>> -> memref<200x128xf32, #tpu.memory_space<hbm>>
        %dma_wait3A_274 = arith.constant 0 : i32
        %dma_wait3A_275 = arith.constant 0 : i32
        %dma_wait3A_276 = tpu.memref_slice %arg9[%select_n3A_223, %dma_wait3A_274, %dma_wait3A_275] : memref<2x200x128xf32, #tpu.memory_space<vmem>> -> memref<1x200x128xf32, #tpu.memory_space<vmem>>
        %dma_wait3A_277 = tpu.memref_squeeze %dma_wait3A_276 : memref<1x200x128xf32, #tpu.memory_space<vmem>> -> memref<200x128xf32, #tpu.memory_space<vmem>>
        tpu.wait_dma2 semaphore(%dma_wait3A_271 : memref<!tpu.dma_semaphore, #tpu.memory_space<semaphore_mem>>) src(%dma_wait3A_277 : memref<200x128xf32, #tpu.memory_space<vmem>>) dst(%dma_wait3A_273 : memref<200x128xf32, #tpu.memory_space<hbm>>)
      } else {
      }
      %mul3A_229 = arith.constant 128 : i32
      %mul3A_230 = arith.muli %scan3A_161, %mul3A_229 : i32
      %dma_wait3A_231 = arith.constant 0 : i32
      %dma_wait3A_232 = arith.constant 0 : i32
      %dma_wait3A_233 = tpu.memref_slice %arg8[%select_n3A_170, %dma_wait3A_231, %dma_wait3A_232] : memref<8x50x32xf32, #tpu.memory_space<vmem>> -> memref<1x50x32xf32, #tpu.memory_space<vmem>>
      %dma_wait3A_234 = tpu.memref_squeeze %dma_wait3A_233 : memref<1x50x32xf32, #tpu.memory_space<vmem>> -> memref<50x32xf32, #tpu.memory_space<vmem>>
      %dma_wait3A_235 = tpu.memref_slice %arg6[%mul3A_230] : memref<16384xi32, #tpu.memory_space<vmem>> -> memref<50xi32, #tpu.memory_space<vmem>>
      %dma_wait3A_236 = arith.constant 0 : i32
      %dma_wait3A_237 = arith.constant 0 : i32
      %dma_wait3A_238 = tpu.memref_slice %arg2[%dma_wait3A_236, %dma_wait3A_237] : memref<1000000x32xf32, #tpu.memory_space<hbm>> -> memref<1000000x32xf32, #tpu.memory_space<hbm>>
      %dma_wait3A_239 = tpu.memref_slice %arg10[%select_n3A_170] : memref<8x!tpu.dma_semaphore, #tpu.memory_space<semaphore_mem>> -> memref<1x!tpu.dma_semaphore, #tpu.memory_space<semaphore_mem>>
      %dma_wait3A_240 = tpu.memref_squeeze %dma_wait3A_239 : memref<1x!tpu.dma_semaphore, #tpu.memory_space<semaphore_mem>> -> memref<!tpu.dma_semaphore, #tpu.memory_space<semaphore_mem>>
      tpu.wait_indirect_dma semaphore(%dma_wait3A_240 : memref<!tpu.dma_semaphore, #tpu.memory_space<semaphore_mem>>) src(%dma_wait3A_238 : memref<1000000x32xf32, #tpu.memory_space<hbm>>) dst(%dma_wait3A_234 : memref<50x32xf32, #tpu.memory_space<vmem>>)
      %parallel_loop3A = arith.constant 0 : i32
      %parallel_loop3A_241 = arith.constant 50 : i32
      %parallel_loop3A_242 = arith.constant 1 : i32
      scf.for %parallel_loop3A_255 = %parallel_loop3A to %parallel_loop3A_241 step %parallel_loop3A_242  : i32 {
        %parallel_loop3A_256 = arith.index_cast %select_n3A_170 : i32 to index
        %parallel_loop3A_257 = arith.index_cast %parallel_loop3A_255 : i32 to index
        %parallel_loop3A_258 = arith.constant 0 : index
        %parallel_loop3A_259 = tpu.vector_load %arg8[%parallel_loop3A_256, %parallel_loop3A_257, %parallel_loop3A_258] {strides = array<i32>} : memref<8x50x32xf32, #tpu.memory_space<vmem>>, vector<1x1x16xf32>,
        %parallel_loop3A_260 = vector.shape_cast %parallel_loop3A_259 : vector<1x1x16xf32> to vector<16xf32>
        %parallel_loop3A_261 = arith.addf %parallel_loop3A_260, %get3A_6 : vector<16xf32>
        %parallel_loop3A_262 = arith.constant 50 : i32
        %parallel_loop3A_263 = arith.muli %select_n3A_207, %parallel_loop3A_262 : i32
        %parallel_loop3A_264 = arith.addi %parallel_loop3A_263, %parallel_loop3A_255 : i32
        %parallel_loop3A_265 = arith.index_cast %select_n3A_223 : i32 to index
        %parallel_loop3A_266 = arith.index_cast %parallel_loop3A_264 : i32 to index
        %parallel_loop3A_267 = arith.constant 0 : index
        %parallel_loop3A_268 = tpu.vector_load %arg9[%parallel_loop3A_265, %parallel_loop3A_266, %parallel_loop3A_267] {strides = array<i32>} : memref<2x200x128xf32, #tpu.memory_space<vmem>>, vector<1x1x16xf32>,
        %parallel_loop3A_269 = vector.shape_cast %parallel_loop3A_268 : vector<1x1x16xf32> to vector<16xf32>
        %parallel_loop3A_270 = vector.shape_cast %parallel_loop3A_261 : vector<16xf32> to vector<1x1x16xf32>
        tpu.vector_store %arg9[%parallel_loop3A_265, %parallel_loop3A_266, %parallel_loop3A_267], %parallel_loop3A_270 {strides = array<i32>} : memref<2x200x128xf32, #tpu.memory_space<vmem>>, vector<1x1x16xf32>,
        %parallel_loop3A_271 = arith.index_cast %select_n3A_170 : i32 to index
        %parallel_loop3A_272 = arith.index_cast %parallel_loop3A_255 : i32 to index
        %parallel_loop3A_273 = arith.constant 16 : index
        %parallel_loop3A_274 = tpu.vector_load %arg8[%parallel_loop3A_271, %parallel_loop3A_272, %parallel_loop3A_273] {strides = array<i32>} : memref<8x50x32xf32, #tpu.memory_space<vmem>>, vector<1x1x16xf32>,
        %parallel_loop3A_275 = vector.shape_cast %parallel_loop3A_274 : vector<1x1x16xf32> to vector<16xf32>
        %parallel_loop3A_276 = arith.addf %parallel_loop3A_275, %get3A_9 : vector<16xf32>
        %parallel_loop3A_277 = arith.constant 50 : i32
        %parallel_loop3A_278 = arith.muli %select_n3A_207, %parallel_loop3A_277 : i32
        %parallel_loop3A_279 = arith.addi %parallel_loop3A_278, %parallel_loop3A_255 : i32
        %parallel_loop3A_280 = arith.index_cast %select_n3A_223 : i32 to index
        %parallel_loop3A_281 = arith.index_cast %parallel_loop3A_279 : i32 to index
        %parallel_loop3A_282 = arith.constant 16 : index
        %parallel_loop3A_283 = tpu.vector_load %arg9[%parallel_loop3A_280, %parallel_loop3A_281, %parallel_loop3A_282] {strides = array<i32>} : memref<2x200x128xf32, #tpu.memory_space<vmem>>, vector<1x1x16xf32>,
        %parallel_loop3A_284 = vector.shape_cast %parallel_loop3A_283 : vector<1x1x16xf32> to vector<16xf32>
        %parallel_loop3A_285 = vector.shape_cast %parallel_loop3A_276 : vector<16xf32> to vector<1x1x16xf32>
        tpu.vector_store %arg9[%parallel_loop3A_280, %parallel_loop3A_281, %parallel_loop3A_282], %parallel_loop3A_285 {strides = array<i32>} : memref<2x200x128xf32, #tpu.memory_space<vmem>>, vector<1x1x16xf32>,
      } {sc.loop_unroll_factor = 10 : i64, sc.parallel_access}
      %add3A_243 = arith.constant 8 : i32
      %add3A_244 = arith.addi %scan3A_161, %add3A_243 : i32
      %lt3A_245 = arith.constant 128 : i32
      %lt3A_246 = arith.cmpi slt, %add3A_244, %lt3A_245 : i32
      %convert_element_type3A_247 = arith.extui %lt3A_246 : i1 to i32
      %cond3A_248 = arith.constant 0 : i32
      %cond3A_249 = arith.cmpi ne, %convert_element_type3A_247, %cond3A_248 : i32
      scf.if %cond3A_249 {
        %add3A_255 = arith.constant 8 : i32
        %add3A_256 = arith.addi %scan3A_161, %add3A_255 : i32
        %mul3A_257 = arith.constant 128 : i32
        %mul3A_258 = arith.muli %add3A_256, %mul3A_257 : i32
        %dma_start3A_259 = arith.constant 0 : i32
        %dma_start3A_260 = arith.constant 0 : i32
        %dma_start3A_261 = tpu.memref_slice %arg8[%select_n3A_170, %dma_start3A_259, %dma_start3A_260] : memref<8x50x32xf32, #tpu.memory_space<vmem>> -> memref<1x50x32xf32, #tpu.memory_space<vmem>>
        %dma_start3A_262 = tpu.memref_squeeze %dma_start3A_261 : memref<1x50x32xf32, #tpu.memory_space<vmem>> -> memref<50x32xf32, #tpu.memory_space<vmem>>
        %dma_start3A_263 = tpu.memref_slice %arg6[%mul3A_258] : memref<16384xi32, #tpu.memory_space<vmem>> -> memref<50xi32, #tpu.memory_space<vmem>>
        %dma_start3A_264 = arith.constant 0 : i32
        %dma_start3A_265 = arith.constant 0 : i32
        %dma_start3A_266 = tpu.memref_slice %arg2[%dma_start3A_264, %dma_start3A_265] : memref<1000000x32xf32, #tpu.memory_space<hbm>> -> memref<1000000x32xf32, #tpu.memory_space<hbm>>
        %dma_start3A_267 = tpu.memref_slice %arg10[%select_n3A_170] : memref<8x!tpu.dma_semaphore, #tpu.memory_space<semaphore_mem>> -> memref<1x!tpu.dma_semaphore, #tpu.memory_space<semaphore_mem>>
        %dma_start3A_268 = tpu.memref_squeeze %dma_start3A_267 : memref<1x!tpu.dma_semaphore, #tpu.memory_space<semaphore_mem>> -> memref<!tpu.dma_semaphore, #tpu.memory_space<semaphore_mem>>
        tpu.enqueue_indirect_dma source(%dma_start3A_266 : memref<1000000x32xf32, #tpu.memory_space<hbm>>) target(%dma_start3A_262 : memref<50x32xf32, #tpu.memory_space<vmem>>) offsets(%dma_start3A_263 : memref<50xi32, #tpu.memory_space<vmem>>) semaphore(%dma_start3A_268 : memref<!tpu.dma_semaphore, #tpu.memory_space<semaphore_mem>>)
      } else {
      }
      %eq3A_250 = arith.constant 3 : i32
      %eq3A_251 = arith.cmpi eq, %select_n3A_207, %eq3A_250 : i32
      %convert_element_type3A_252 = arith.extui %eq3A_251 : i1 to i32
      %cond3A_253 = arith.constant 0 : i32
      %cond3A_254 = arith.cmpi ne, %convert_element_type3A_252, %cond3A_253 : i32
      scf.if %cond3A_254 {
        %mul3A_255 = arith.constant 128 : i32
        %mul3A_256 = arith.muli %add3A, %mul3A_255 : i32
        %mul3A_257 = arith.constant 50 : i32
        %mul3A_258 = arith.muli %mul3A_256, %mul3A_257 : i32
        %mul3A_259 = arith.constant 200 : i32
        %mul3A_260 = arith.muli %select_n3A_191, %mul3A_259 : i32
        %add3A_261 = arith.addi %mul3A_258, %mul3A_260 : i32
        %dma_start3A_262 = arith.constant 0 : i32
        %dma_start3A_263 = arith.constant 0 : i32
        %dma_start3A_264 = tpu.memref_slice %arg9[%select_n3A_223, %dma_start3A_262, %dma_start3A_263] : memref<2x200x128xf32, #tpu.memory_space<vmem>> -> memref<1x200x128xf32, #tpu.memory_space<vmem>>
        %dma_start3A_265 = tpu.memref_squeeze %dma_start3A_264 : memref<1x200x128xf32, #tpu.memory_space<vmem>> -> memref<200x128xf32, #tpu.memory_space<vmem>>
        %dma_start3A_266 = arith.constant 0 : i32
        %dma_start3A_267 = tpu.memref_slice %arg5[%add3A_261, %dma_start3A_266] : memref<204800x128xf32, #tpu.memory_space<hbm>> -> memref<200x128xf32, #tpu.memory_space<hbm>>
        %dma_start3A_268 = tpu.memref_slice %arg11[%select_n3A_223] : memref<2x!tpu.dma_semaphore, #tpu.memory_space<semaphore_mem>> -> memref<1x!tpu.dma_semaphore, #tpu.memory_space<semaphore_mem>>
        %dma_start3A_269 = tpu.memref_squeeze %dma_start3A_268 : memref<1x!tpu.dma_semaphore, #tpu.memory_space<semaphore_mem>> -> memref<!tpu.dma_semaphore, #tpu.memory_space<semaphore_mem>>
        %dma_start3A_270 = arith.constant 0 : i32
        %dma_start3A_271 = tpu.memref_slice %arg5[%add3A_261, %dma_start3A_270] : memref<204800x128xf32, #tpu.memory_space<hbm>> -> memref<200x128xf32, #tpu.memory_space<hbm>>
        %dma_start3A_272 = arith.constant 0 : i32
        %dma_start3A_273 = arith.constant 0 : i32
        %dma_start3A_274 = tpu.memref_slice %arg9[%select_n3A_223, %dma_start3A_272, %dma_start3A_273] : memref<2x200x128xf32, #tpu.memory_space<vmem>> -> memref<1x200x128xf32, #tpu.memory_space<vmem>>
        %dma_start3A_275 = tpu.memref_squeeze %dma_start3A_274 : memref<1x200x128xf32, #tpu.memory_space<vmem>> -> memref<200x128xf32, #tpu.memory_space<vmem>>
        tpu.enqueue_dma source(%dma_start3A_275 : memref<200x128xf32, #tpu.memory_space<vmem>>) target(%dma_start3A_271 : memref<200x128xf32, #tpu.memory_space<hbm>>) target_semaphore(%dma_start3A_269 : memref<!tpu.dma_semaphore, #tpu.memory_space<semaphore_mem>>)
      } else {
      }
    }
    %scan3A_117 = arith.constant 128 : i32
    %mul3A_118 = arith.constant 128 : i32
    %mul3A_119 = arith.muli %add3A, %mul3A_118 : i32
    %mul3A_120 = arith.constant 50 : i32
    %mul3A_121 = arith.muli %mul3A_119, %mul3A_120 : i32
    %add3A_122 = arith.constant 6000 : i32
    %add3A_123 = arith.addi %mul3A_121, %add3A_122 : i32
    %dma_wait3A = arith.constant 0 : i32
    %dma_wait3A_124 = arith.constant 0 : i32
    %dma_wait3A_125 = arith.constant 0 : i32
    %dma_wait3A_126 = arith.constant 0 : i32
    %dma_wait3A_127 = tpu.memref_slice %arg9[%dma_wait3A, %dma_wait3A_125, %dma_wait3A_126] : memref<2x200x128xf32, #tpu.memory_space<vmem>> -> memref<1x200x128xf32, #tpu.memory_space<vmem>>
    %dma_wait3A_128 = tpu.memref_squeeze %dma_wait3A_127 : memref<1x200x128xf32, #tpu.memory_space<vmem>> -> memref<200x128xf32, #tpu.memory_space<vmem>>
    %dma_wait3A_129 = arith.constant 0 : i32
    %dma_wait3A_130 = tpu.memref_slice %arg5[%add3A_123, %dma_wait3A_129] : memref<204800x128xf32, #tpu.memory_space<hbm>> -> memref<200x128xf32, #tpu.memory_space<hbm>>
    %dma_wait3A_131 = tpu.memref_slice %arg11[%dma_wait3A_124] : memref<2x!tpu.dma_semaphore, #tpu.memory_space<semaphore_mem>> -> memref<1x!tpu.dma_semaphore, #tpu.memory_space<semaphore_mem>>
    %dma_wait3A_132 = tpu.memref_squeeze %dma_wait3A_131 : memref<1x!tpu.dma_semaphore, #tpu.memory_space<semaphore_mem>> -> memref<!tpu.dma_semaphore, #tpu.memory_space<semaphore_mem>>
    %dma_wait3A_133 = arith.constant 0 : i32
    %dma_wait3A_134 = tpu.memref_slice %arg5[%add3A_123, %dma_wait3A_133] : memref<204800x128xf32, #tpu.memory_space<hbm>> -> memref<200x128xf32, #tpu.memory_space<hbm>>
    %dma_wait3A_135 = arith.constant 0 : i32
    %dma_wait3A_136 = arith.constant 0 : i32
    %dma_wait3A_137 = tpu.memref_slice %arg9[%dma_wait3A, %dma_wait3A_135, %dma_wait3A_136] : memref<2x200x128xf32, #tpu.memory_space<vmem>> -> memref<1x200x128xf32, #tpu.memory_space<vmem>>
    %dma_wait3A_138 = tpu.memref_squeeze %dma_wait3A_137 : memref<1x200x128xf32, #tpu.memory_space<vmem>> -> memref<200x128xf32, #tpu.memory_space<vmem>>
    tpu.wait_dma2 semaphore(%dma_wait3A_132 : memref<!tpu.dma_semaphore, #tpu.memory_space<semaphore_mem>>) src(%dma_wait3A_138 : memref<200x128xf32, #tpu.memory_space<vmem>>) dst(%dma_wait3A_134 : memref<200x128xf32, #tpu.memory_space<hbm>>)
    %mul3A_139 = arith.constant 128 : i32
    %mul3A_140 = arith.muli %add3A, %mul3A_139 : i32
    %mul3A_141 = arith.constant 50 : i32
    %mul3A_142 = arith.muli %mul3A_140, %mul3A_141 : i32
    %add3A_143 = arith.constant 6200 : i32
    %add3A_144 = arith.addi %mul3A_142, %add3A_143 : i32
    %dma_wait3A_145 = arith.constant 1 : i32
    %dma_wait3A_146 = arith.constant 1 : i32
    %dma_wait3A_147 = arith.constant 0 : i32
    %dma_wait3A_148 = arith.constant 0 : i32
    %dma_wait3A_149 = tpu.memref_slice %arg9[%dma_wait3A_145, %dma_wait3A_147, %dma_wait3A_148] : memref<2x200x128xf32, #tpu.memory_space<vmem>> -> memref<1x200x128xf32, #tpu.memory_space<vmem>>
    %dma_wait3A_150 = tpu.memref_squeeze %dma_wait3A_149 : memref<1x200x128xf32, #tpu.memory_space<vmem>> -> memref<200x128xf32, #tpu.memory_space<vmem>>
    %dma_wait3A_151 = arith.constant 0 : i32
    %dma_wait3A_152 = tpu.memref_slice %arg5[%add3A_144, %dma_wait3A_151] : memref<204800x128xf32, #tpu.memory_space<hbm>> -> memref<200x128xf32, #tpu.memory_space<hbm>>
    %dma_wait3A_153 = tpu.memref_slice %arg11[%dma_wait3A_146] : memref<2x!tpu.dma_semaphore, #tpu.memory_space<semaphore_mem>> -> memref<1x!tpu.dma_semaphore, #tpu.memory_space<semaphore_mem>>
    %dma_wait3A_154 = tpu.memref_squeeze %dma_wait3A_153 : memref<1x!tpu.dma_semaphore, #tpu.memory_space<semaphore_mem>> -> memref<!tpu.dma_semaphore, #tpu.memory_space<semaphore_mem>>
    %dma_wait3A_155 = arith.constant 0 : i32
    %dma_wait3A_156 = tpu.memref_slice %arg5[%add3A_144, %dma_wait3A_155] : memref<204800x128xf32, #tpu.memory_space<hbm>> -> memref<200x128xf32, #tpu.memory_space<hbm>>
    %dma_wait3A_157 = arith.constant 0 : i32
    %dma_wait3A_158 = arith.constant 0 : i32
    %dma_wait3A_159 = tpu.memref_slice %arg9[%dma_wait3A_145, %dma_wait3A_157, %dma_wait3A_158] : memref<2x200x128xf32, #tpu.memory_space<vmem>> -> memref<1x200x128xf32, #tpu.memory_space<vmem>>
    %dma_wait3A_160 = tpu.memref_squeeze %dma_wait3A_159 : memref<1x200x128xf32, #tpu.memory_space<vmem>> -> memref<200x128xf32, #tpu.memory_space<vmem>>
    tpu.wait_dma2 semaphore(%dma_wait3A_154 : memref<!tpu.dma_semaphore, #tpu.memory_space<semaphore_mem>>) src(%dma_wait3A_160 : memref<200x128xf32, #tpu.memory_space<vmem>>) dst(%dma_wait3A_156 : memref<200x128xf32, #tpu.memory_space<hbm>>)
    return
  }
}

</mosaic_0001>

<sc_bundles>
// kernel: kernel.3.cloned.1.call-start
scs
__scs_entry_jumppad:
0x0: {  	(pc) =	sbr.rel $0x88, $3  }
0x1: {  	(tag) =	ssettag $0x0;
	lr =	simm.s32 $0x1  }
0x2: {  	[smem:$0x3F9E] =	sst lr;
	_ =	strace $0xD0000000  }
0x3: {  	_ = 	snop  }
0x4: {  	_ = 	snop  }
0x5: {  	_ = 	snop  }
0x6: {  	_ = 	snop  }
0x7: {  	_ = 	snop  }
__scs_overlays_trampoline_lowered:
0x8: {  	[smem:$0x3FAD] =	sst s0  }
0x9: {  	[smem:$0x3FAE] =	sst s1  }
0xa: {  	[smem:$0x3FAF] =	sst s2  }
0xb: {  	[smem:$0x3FB0] =	sst s3  }
0xc: {  	[smem:$0x3FB1] =	sst s4  }
0xd: {  	[smem:$0x3FB2] =	sst s5  }
0xe: {  	[smem:$0x3FB3] =	sst s6  }
0xf: {  	[smem:$0x3FB4] =	sst s7  }
0x10: {  	[smem:$0x3FB5] =	sst s8  }
0x11: {  	[smem:$0x3FB6] =	sst s9;
	s0 =	simm.s32 @!p0 $0x0  }
0x12: {  	s1 =	sld [smem:$0x3F9C];
	s0 =	simm.s32 @p0 $0x1  }
0x13: {  	[smem:$0x3FB7] =	sst s0;
	s0 =	simm.s32 @!p1 $0x0  }
0x14: {  	s2 =	sld [smem:$0x3F9B];
	s0 =	simm.s32 @p1 $0x1  }
0x15: {  	[smem:$0x3FB8] =	sst s0;
	s0 =	simm.s32 @!p2 $0x0  }
0x16: {  	s3 =	sld [smem:$0x3FDB];
	s0 =	simm.s32 @p2 $0x1  }
0x17: {  	s4 =	simm.s32 $0x1BF5;
	[smem:$0x3FBA] =	sst s0  }
0x18: {  	s0 =	sld [smem:$0x3F9D];
	_ =	swait.ge [sflag:s4], $0x0  }
0x19: {  	s7 =	sld [smem:$0x3F9E]  }
0x1a: {  	s8 =	sadd.s32 $0xFFFFE003, lr  }
0x1b: {  	s9 =	sadd.s32 $0xFFFFFEF7, lr;
	s5 =	simm.s32 $0xFFFFFFFF;
	p2 =	slt.u32 s8, $0xFFFFF086  }
0x1c: {  	p1 =	slt.u32 s9, $0xF7A;
	s5 =	simm.s32 @!p2 $0x0  }
0x1d: {  	s5 =	simm.s32 @p1 $0x1;
	p0 =	seq.s32 s7, s2  }
0x1e: {  	s7 =	smul.u32 @!p0 $0xF7A, s2;
	p2 =	seq.s32 @!p0 s5, $0x0  }
0x1f: {  	s9 =	smul.u32 $0xF7A, s1;
	s8 =	simm.s32 @!p0 $0x1BF5;
	p2 =	por !p2, p0  }
0x20: {  	[sflag:s8] =	ssyncset.s32 @!p0 $0xFFFFF086;
	s6 =	sadd.s32 @!p0 s3, s7;
	s7 =	simm.s32 @!p0 $0x108  }
0x21: {  	s3 =	sadd.s32 s3, s9;
	s6 =	sadd.s32 @!p0 $0x88, s6;
	s7 =	simm.s32 @p2 $0x1082  }
0x22: {  	[simem:s7], [sflag:s8] =	dma.local @!p0 [hbm:s6], $0xF7A  }
0x23: {  	s9 =	sor.u32 $0xD0000000, s2;
	s6 =	simm.s32 $0x108;
	_ =	swait.ge @!p0 [sflag:s8], $0x0  }
0x24: {  	s3 =	sadd.s32 $0x88, s3;
	s6 =	simm.s32 @!p1 $0x1082;
	[sflag:s4] =	ssyncset.s32 $0xFFFFF086  }
0x25: {  	[simem:s6], [sflag:s4] =	dma.local [hbm:s3], $0xF7A  }
0x26: {  	[smem:$0x3F9E] =	sst s1;
	(tag) =	ssettag s2;
	_ =	strace s9  }
0x27: {  	s1 =	sld [smem:$0x3FAE]  }
0x28: {  	s2 =	sld [smem:$0x3FAF]  }
0x29: {  	s4 =	sld [smem:$0x3FB1]  }
0x2a: {  	p0 =	seq.s32 s5, $0x0;
	s5 =	sld [smem:$0x3FB2]  }
0x2b: {  	s6 =	sld [smem:$0x3FB3]  }
0x2c: {  	s7 =	sld [smem:$0x3FB4]  }
0x2d: {  	s3 =	simm.s32 $0x108;
	s8 =	sld [smem:$0x3FB5]  }
0x2e: {  	s3 =	simm.s32 @!p0 $0x1082;
	s9 =	sld [smem:$0x3FB6]  }
0x2f: {  	lr =	sadd.s32 s0, s3;
	s0 =	sld [smem:$0x3FAD]  }
0x30: {  	s3 =	sld [smem:$0x3FB0]  }
0x31: {  	[smem:$0x3FB9] =	sst s10  }
0x32: {  	s10 =	sld [smem:$0x3FB7];
	_ =	sdelay $0x3  }
0x33: {  	p0 =	seq.s32 s10, $0x1;
	s10 =	sld [smem:$0x3FB9];
	_ =	sdelay $0x3  }
0x34: {  	[smem:$0x3FB9] =	sst s10  }
0x35: {  	s10 =	sld [smem:$0x3FB8];
	_ =	sdelay $0x3  }
0x36: {  	p1 =	seq.s32 s10, $0x1;
	s10 =	sld [smem:$0x3FB9];
	_ =	sdelay $0x3  }
0x37: {  	[smem:$0x3FB9] =	sst s10  }
0x38: {  	s10 =	sld [smem:$0x3FBA]  }
0x39: {  	_ = 	snop;
	(pc) =	sbr.ind lr, $3  }
0x3a: {  	_ = 	snop  }
0x3b: {  	_ = 	snop  }
0x3c: {  	p2 =	seq.s32 s10, $0x1;
	s10 =	sld [smem:$0x3FB9]  }
0x3d: {  	_ =	shalt  }
0x3e: {  	_ =	shalt  }
0x3f: {  	_ =	shalt  }
0x40: {  	_ =	shalt  }
0x41: {  	_ =	shalt  }
0x42: {  	_ =	shalt  }
0x43: {  	_ =	shalt  }
0x44: {  	_ =	shalt  }
0x45: {  	_ =	shalt  }
0x46: {  	_ =	shalt  }
0x47: {  	_ =	shalt  }
0x48: {  	_ =	shalt  }
0x49: {  	_ =	shalt  }
0x4a: {  	_ =	shalt  }
0x4b: {  	_ =	shalt  }
0x4c: {  	_ =	shalt  }
0x4d: {  	_ =	shalt  }
0x4e: {  	_ =	shalt  }
0x4f: {  	_ =	shalt  }
0x50: {  	_ =	shalt  }
0x51: {  	_ =	shalt  }
0x52: {  	_ =	shalt  }
0x53: {  	_ =	shalt  }
0x54: {  	_ =	shalt  }
0x55: {  	_ =	shalt  }
0x56: {  	_ =	shalt  }
0x57: {  	_ =	shalt  }
0x58: {  	_ =	shalt  }
0x59: {  	_ =	shalt  }
0x5a: {  	_ =	shalt  }
0x5b: {  	_ =	shalt  }
0x5c: {  	_ =	shalt  }
0x5d: {  	_ =	shalt  }
0x5e: {  	_ =	shalt  }
0x5f: {  	_ =	shalt  }
0x60: {  	_ =	shalt  }
0x61: {  	_ =	shalt  }
0x62: {  	_ =	shalt  }
0x63: {  	_ =	shalt  }
0x64: {  	_ =	shalt  }
0x65: {  	_ =	shalt  }
0x66: {  	_ =	shalt  }
0x67: {  	_ =	shalt  }
0x68: {  	_ =	shalt  }
0x69: {  	_ =	shalt  }
0x6a: {  	_ =	shalt  }
0x6b: {  	_ =	shalt  }
0x6c: {  	_ =	shalt  }
0x6d: {  	_ =	shalt  }
0x6e: {  	_ =	shalt  }
0x6f: {  	_ =	shalt  }
0x70: {  	_ =	shalt  }
0x71: {  	_ =	shalt  }
0x72: {  	_ =	shalt  }
0x73: {  	_ =	shalt  }
0x74: {  	_ =	shalt  }
0x75: {  	_ =	shalt  }
0x76: {  	_ =	shalt  }
0x77: {  	_ =	shalt  }
0x78: {  	_ =	shalt  }
0x79: {  	_ =	shalt  }
0x7a: {  	_ =	shalt  }
0x7b: {  	_ =	shalt  }
0x7c: {  	_ =	shalt  }
0x7d: {  	_ =	shalt  }
0x7e: {  	_ =	shalt  }
0x7f: {  	_ =	shalt  }
0x80: {  	_ =	shalt  }
0x81: {  	_ =	shalt  }
0x82: {  	_ =	shalt  }
0x83: {  	_ =	shalt  }
0x84: {  	_ =	shalt  }
0x85: {  	_ =	shalt  }
0x86: {  	_ =	shalt  }
0x87: {  	_ =	shalt  }
.Lfunc_end0:
.L_simem_size_0:
called_computation_lowered:
.L_overlay_start_0:
0x88: {  	s2 =	sld [smem:$0x3FD9]  }
0x89: {  	s3 =	sld [smem:$0x3FFE];
	_ =	sdelay $0x1  }
0x8a: {  	s1 =	srdreg.scid  }
0x8b: {  	s0 =	sand.u32 $0x1, s1  }
0x8c: {  	s17 =	sshll.u32 s0, $0xA;
	s2 =	sadd.s32 s3, s2  }
0x8d: {  	s2 =	sadd.s32 s2, s17  }
0x8e: {  	[smem:$0x3FC5] =	sst s2  }
0x8f: {  	_ = 	snop  }
0x90: {  	s2 =	sld [smem:$0x3FC7]  }
0x91: {  	s18 =	sld [smem:$0x3FD0];
	(tm) =	ssettm $0x1  }
0x92: {  	s4 =	sld [smem:$0x3FFB];
	_ =	sdelay $0x3  }
0x93: {  	_ =	strace s4  }
0x94: {  	s4 =	sld [smem:$0x3FFC];
	_ =	sdelay $0x3  }
0x95: {  	_ =	strace s4  }
0x96: {  	s4 =	sld [smem:$0x3FFD];
	_ =	sdelay $0x3  }
0x97: {  	_ =	strace s4  }
0x98: {  	_ =	strace $0x8FFFFFFF  }
0x99: {  	s19 =	sld [smem:$0x3FDB];
	_ =	sdelay $0x1  }
0x9a: {  	s5 =	simm.s32 $_scs_section_size  }
0x9b: {  	s6 =	simm.s32 $_size__tile_overlayer_lowered;
	s7 =	simm.s32 $_tile_overlayer_lowered  }
0x9c: {  	s22 =	simm.s32 $0x1BFF;
	s21 =	sshll.u32 s7, $0x1;
	s4 =	sadd.s32 s5, s19  }
0x9d: {  	s8 =	simm.s32 $0x0;
	s20 =	sshll.u32 s6, $0x1;
	s6 =	sadd.s32 s21, s4  }
0x9e: {  	[timem:s8], [sflag:s22] =	dma.local [hbm:s6], s20  }
0x9f: {  	_ =	swait.ge [sflag:s22], s20  }
0xa0: {  	s5 =	ssub.s32 $0x0, s20;
	[sflag:s22] =	ssyncset.done $0x0  }
0xa1: {  	[sflag:s22] =	ssyncadd.s32 s5;
	_ =	sdelay $0x1  }
0xa2: {  	s23 =	simm.s32 $0x1B8B  }
0xa3: {  	_ =	swait.ge [sflag:s23], $0x1  }
0xa4: {  	[sflag:s23] =	ssyncset.done $0x0  }
0xa5: {  	s25 =	simm.s32 $0x1B8E;
	s24 =	sld [smem:$0x3FFE];
	[sflag:s23] =	ssyncadd.s32 $0xFFFFFFFF  }
0xa6: {  	s26 =	simm.s32 $execute0_lowered;
	[smem:$0x3FD2] =	sst s25  }
0xa7: {  	s6 =	sshll.u32 s26, $0x1;
	_ =	strace $0x80000046;
	[dreg:$0x1] =	wrdreg $0xFFFFFFFF  }
0xa8: {  	s28 =	simm.s32 $_size_execute0_lowered;
	s4 =	sadd.s32 s4, s6;
	[dreg:$0x0] =	wrdreg $0x0  }
0xa9: {  	s6 =	sshll.u32 s28, $0x1;
	[dreg:$0x2] =	wrdreg s4  }
0xaa: {  	[dreg:$0x3] =	wrdreg s6  }
0xab: {  	[dreg:$0x4] =	wrdreg $0xC0  }
0xac: {  	_ =	task [dreg:s8], $0x5FFFF  }
0xad: {  	[dreg:$0x1] =	wrdreg $0xFFFFFFFF  }
0xae: {  	[dreg:$0x0] =	wrdreg $0x60  }
0xaf: {  	[dreg:$0x2] =	wrdreg s24  }
0xb0: {  	[dreg:$0x3] =	wrdreg s18  }
0xb1: {  	[dreg:$0x4] =	wrdreg s2  }
0xb2: {  	[dreg:$0x5] =	wrdreg $0x9  }
0xb3: {  	_ =	task.clear_ibuf [dreg:s8], $0x6FFFF;
	_ =	strace $0x90000046  }
0xb4: {  	s29 =	simm.s32 $0x9;
	_ =	strace $0x80000048  }
0xb5: {  	_ =	swait.ge [sflag:s29], $0x1  }
0xb6: {  	[sflag:s29] =	ssyncadd.s32 $0xFFFFFFFF  }
0xb7: {  	_ =	strace $0x90000048  }
0xb8: {  	_ =	sfence  }
0xb9: {  	s30 =	sld [smem:$0x0];
	_ =	sdelay $0x2  }
0xba: {  	s31 =	sshll.u32 s1, $0xD;
	s1 =	sshrl.u32 s1, $0x2  }
0xbb: {  	s3 =	sand.u32 $0x4000, s31;
	s1 =	sadd.s32 s1, s30  }
0xbc: {  	s0 =	sor.u32 s3, s0;
	s1 =	sshll.u32 s1, $0x11  }
0xbd: {  	s0 =	sor.u32 s1, s0  }
0xbe: {  	s0 =	sadd.s32 $0x8F2B, s0  }
0xbf: {  	[sflag:s0] =	ssyncadd.remote.s32 $0x1  }
0xc0: {  	_ =	sfence.sel $0xFFFF  }
0xc1: {  	[dreg:$0x0] =	wrdreg $0xFFFFFFFF;
	(pc) =	sbr.abs _section_cstart, $3  }
0xc2: {  	[dreg:$0x1] =	wrdreg $0xFFFFFFFF  }
0xc3: {  	_ =	task.clear_ibuf [dreg:s8], $0x2FFFF;
	_ =	strace $0x9FFFFFFF  }
0xc4: {  	(tm) =	ssettm $0x7FFFFFFF  }
0xc5: {  	_ =	shalt  }
tec
execute0_lowered:
.L_overlay_start_1:
0x0: {  	(tag) =	ssettag $0x1  }
0x1: {  	s0 =	rddreg [dreg:$0x0]  }
0x2: {  	s1 =	rddreg [dreg:$0x1]  }
0x3: {  	s3 =	simm.s32 $0x0;
	s2 =	srdreg.scid;
	s4 =	stileid.u32  }
0x4: {  	s9 =	simm.s32 $0xB;
	s11 =	simm.s32 $0x32;
	s19 =	simm.s32 $0x200  }
0x5: {  	s20 =	simm.s32 $0x5920;
	s21 =	simm.s32 $0x280;
	s22 =	simm.s32 $0x5F60  }
0x6: {  	s23 =	simm.s32 $0x300;
	s24 =	simm.s32 $0x65A0;
	s25 =	simm.s32 $0x380  }
0x7: {  	s28 =	simm.s32 $0x9;
	s29 =	simm.s32 $0xA;
	s30 =	simm.s32 $0x0  }
0x8: {  	[smem:$0x7FF] =	sst s3;
	s2 =	sand.u32 $0x1, s2;
	s5 =	sshll.u32 s4, $0x1  }
0x9: {  	s4 =	sadd.s32 $0xF42A00, s0;
	s6 =	ssub.s32 $0x2, s2;
	s2 =	sor.u32 s2, s5  }
0xa: {  	_ =	strace $0x80000047;
	s7 =	sshrl.u32 s6, $0x1;
	s31 =	sshll.u32 s2, $0xB  }
0xb: {  	s5 =	sadd.s32 $0x600, s0;
	s26 =	ssub.s32 s6, s7;
	s6 =	sadd.s32 s1, s31  }
0xc: {  	s7 =	smul.u32 $0x1900, s2;
	s8 =	smax.u32 s26, $0x1;
	s26 =	simm.s32 $0x6BE0  }
.LBB2_1:
0xd: {  	[tilespmem:s3], [sflag:$0xB] =	stream.linear.gather [hbm4b:s6+s3], $0x4000, $0x38;
	[tilespmem:$0x13A20] =	vst v63  }
0xe: {  	_ =	swait.ge [sflag:s9], $0x4000  }
0xf: {  	[sflag:s9] =	ssyncset.done $0x0  }
0x10: {  	[sflag:s9] =	ssyncadd.s32 $0xFFFFC000  }
0x11: {  	s1 =	simm.s32 $0x4000;
	s0 =	rddreg [dreg:$0x2]  }
0x12: {  	[tilespmem:s1], [sflag:$0xB] =	stream.linear.gather [hbm4b:s0+s3], $0x20, $0x38;
	[tilespmem:$0x13A20] =	vst v63  }
0x13: {  	_ =	swait.ge [sflag:s9], $0x20  }
0x14: {  	[sflag:s9] =	ssyncset.done $0x0  }
0x15: {  	[sflag:s9] =	ssyncadd.s32 $0xFFFFFFE0  }
0x16: {  	s12 =	simm.s32 $0x4020;
	v0 =	vld [tilespmem:$0x4000]  }
0x17: {  	v1 =	vld [tilespmem:$0x4010];
	[tilespmem:s12], [sflag:$0x1] =	stream.indirect.gather [hbm4b:s4+s11], $0x20, s3, s11, $0xb8  }
0x18: {  	s13 =	simm.s32 $0x80;
	s14 =	simm.s32 $0x4660  }
0x19: {  	[tilespmem:s14], [sflag:$0x2] =	stream.indirect.gather [hbm4b:s4+s11], $0x20, s13, s11, $0xb8;
	[tilespmem:$0x13A20] =	vst v63  }
0x1a: {  	s15 =	simm.s32 $0x100;
	s16 =	simm.s32 $0x4CA0  }
0x1b: {  	[tilespmem:s16], [sflag:$0x3] =	stream.indirect.gather [hbm4b:s4+s11], $0x20, s15, s11, $0xb8;
	[tilespmem:$0x13A20] =	vst v63  }
0x1c: {  	s17 =	simm.s32 $0x180;
	s18 =	simm.s32 $0x52E0  }
0x1d: {  	[tilespmem:s18], [sflag:$0x4] =	stream.indirect.gather [hbm4b:s4+s11], $0x20, s17, s11, $0xb8;
	[tilespmem:$0x13A20] =	vst v63  }
0x1e: {  	_ = 	snop  }
0x1f: {  	[tilespmem:s20], [sflag:$0x5] =	stream.indirect.gather [hbm4b:s4+s11], $0x20, s19, s11, $0xb8;
	[tilespmem:$0x13A20] =	vst v63  }
0x20: {  	_ = 	snop  }
0x21: {  	[tilespmem:s22], [sflag:$0x6] =	stream.indirect.gather [hbm4b:s4+s11], $0x20, s21, s11, $0xb8;
	[tilespmem:$0x13A20] =	vst v63  }
0x22: {  	_ = 	snop  }
0x23: {  	[tilespmem:s24], [sflag:$0x7] =	stream.indirect.gather [hbm4b:s4+s11], $0x20, s23, s11, $0xb8;
	[tilespmem:$0x13A20] =	vst v63  }
0x24: {  	s31 =	simm.s32 $0x0;
	s2 =	simm.s32 $0x0;
	s0 =	simm.s32 $0x0  }
0x25: {  	[tilespmem:s26], [sflag:$0x8] =	stream.indirect.gather [hbm4b:s4+s11], $0x20, s25, s11, $0xb8;
	[tilespmem:$0x13A20] =	vst v63  }
.LBB2_2:
0x26: {  	s12 =	sand.u32 $0x3, s2;
	p0 =	slt.u32 s2, $0x8  }
0x27: {  	s10 =	sshrl.u32 s2, $0x2;
	p1 =	sne.s32 @!p0 s12, $0x0  }
0x28: {  	s1 =	sand.u32 $0x1, s10;
	p0 =	por p1, p0  }
0x29: {  	s13 =	sadd.s32 @!p0 $0x9, s1  }
0x2a: {  	_ =	swait.ge @!p0 [sflag:s13], $0x6400  }
0x2b: {  	s14 =	sand.u32 $0x7, s0;
	s15 =	sand.u32 $0x7, s2;
	[sflag:s13] =	ssyncset.done @!p0 $0x0  }
0x2c: {  	s14 =	smul.u32 $0x1900, s14;
	[sflag:s13] =	ssyncadd.s32 @!p0 $0xFFFF9C00;
	s13 =	sadd.s32 $0x1, s15  }
0x2d: {  	_ =	swait.ge [sflag:s13], $0x640  }
0x2e: {  	s14 =	sshrl.u32 s14, $0x2;
	[sflag:s13] =	ssyncset.done $0x0  }
0x2f: {  	s18 =	sadd.s32 $0x40C0, s14;
	[sflag:s13] =	ssyncadd.s32 $0xFFFFF9C0  }
0x30: {  	v2 =	vld [tilespmem:s18+$0x80]  }
0x31: {  	s16 =	sand.u32 $0x3, s31;
	s17 =	smul.u32 $0x19000, s1;
	v3 =	vld [tilespmem:s18+$0xFFFFFF80]  }
0x32: {  	s14 =	smul.u32 $0x6400, s16;
	v4 =	vld [tilespmem:s18+$0xFFFFFFA0]  }
0x33: {  	v5 =	vld [tilespmem:s18+$0xFFFFFFC0]  }
0x34: {  	s14 =	sadd.s32 s14, s17;
	v6 =	vld [tilespmem:s18+$0xFFFFFFE0]  }
0x35: {  	s14 =	sshrl.u32 s14, $0x2;
	v7 =	vld [tilespmem:s18+$0x0];
	v2 =	vadd.f32 v2, v0  }
0x36: {  	s14 =	sadd.s32 $0x74A0, s14;
	v8 =	vld [tilespmem:s18+$0x20];
	v3 =	vadd.f32 v3, v0  }
0x37: {  	v9 =	vld [tilespmem:s18+$0x40];
	v4 =	vadd.f32 v4, v0;
	[tilespmem:s14+$0x200] =	vst v2  }
0x38: {  	[tilespmem:s14+$0xFFFFFE00] =	vst v3;
	v2 =	vadd.f32 v5, v0;
	v5 =	vld [tilespmem:s18+$0x60]  }
0x39: {  	[tilespmem:s14+$0xFFFFFE80] =	vst v4;
	v4 =	vadd.f32 v6, v0;
	v3 =	vld [tilespmem:s18+$0x90]  }
0x3a: {  	v6 =	vld [tilespmem:s18+$0xFFFFFF60];
	[tilespmem:s14+$0xFFFFFF00] =	vst v2;
	v2 =	vadd.f32 v7, v0  }
0x3b: {  	v7 =	vld [tilespmem:s18+$0xFFFFFF90];
	[tilespmem:s14+$0xFFFFFF80] =	vst v4;
	v4 =	vadd.f32 v8, v0  }
0x3c: {  	v8 =	vld [tilespmem:s18+$0xFFFFFFB0];
	[tilespmem:s14+$0x0] =	vst v2;
	v2 =	vadd.f32 v9, v0  }
0x3d: {  	v9 =	vld [tilespmem:s18+$0xFFFFFFD0];
	[tilespmem:s14+$0x80] =	vst v4;
	v4 =	vadd.f32 v5, v0  }
0x3e: {  	v10 =	vld [tilespmem:s18+$0xFFFFFFF0];
	v3 =	vadd.f32 v3, v1;
	[tilespmem:s14+$0x100] =	vst v2  }
0x3f: {  	s15 =	smul.u32 $0x1900, s15;
	v5 =	vadd.f32 v6, v0;
	v2 =	vld [tilespmem:s18+$0x10];
	[tilespmem:s14+$0x180] =	vst v4  }
0x40: {  	v6 =	vadd.f32 v7, v1;
	[tilespmem:s14+$0x210] =	vst v3;
	v3 =	vld [tilespmem:s18+$0x30]  }
0x41: {  	s15 =	sshrl.u32 s15, $0x2;
	[tilespmem:s14+$0xFFFFFD80] =	vst v5;
	v7 =	vadd.f32 v8, v1;
	v4 =	vld [tilespmem:s18+$0x50]  }
0x42: {  	s17 =	sshrl.u32 s17, $0x2;
	s16 =	sor.u32 $0x4020, s15;
	v5 =	vld [tilespmem:s18+$0xFFFFFF70];
	[tilespmem:s14+$0xFFFFFE10] =	vst v6;
	v8 =	vadd.f32 v9, v1  }
0x43: {  	s15 =	sadd.s32 $0x7220, s17;
	s17 =	simm.s32 $0x0;
	[tilespmem:s14+$0xFFFFFE90] =	vst v7;
	v7 =	vadd.f32 v10, v1;
	v6 =	vld [tilespmem:s18+$0x70];
	s18 =	sadd.s32 $0x140, s18  }
.LBB2_3:
0x44: {  	v9 =	vld [tilespmem:s18+$0x80];
	s17 =	sadd.s32 $0xA, s17;
	[tilespmem:s14+$0xFFFFFF10] =	vst v8;
	v2 =	vadd.f32 v2, v1  }
0x45: {  	v8 =	vld [tilespmem:s18+$0xFFFFFF80];
	p0 =	slt.u32 s17, $0x28;
	[tilespmem:s14+$0xFFFFFF90] =	vst v7;
	v3 =	vadd.f32 v3, v1  }
0x46: {  	v7 =	vld [tilespmem:s18+$0xFFFFFFA0];
	[tilespmem:s14+$0x10] =	vst v2;
	v2 =	vadd.f32 v4, v1  }
0x47: {  	v4 =	vld [tilespmem:s18+$0xFFFFFFC0];
	v5 =	vadd.f32 v5, v1;
	[tilespmem:s14+$0x90] =	vst v3  }
0x48: {  	v3 =	vld [tilespmem:s18+$0xFFFFFFE0];
	[tilespmem:s14+$0x110] =	vst v2;
	v2 =	vadd.f32 v6, v1  }
0x49: {  	v6 =	vld [tilespmem:s18+$0x0];
	v9 =	vadd.f32 v9, v0;
	[tilespmem:s14+$0xFFFFFD90] =	vst v5  }
0x4a: {  	v5 =	vadd.f32 v8, v0;
	v8 =	vld [tilespmem:s18+$0x20];
	[tilespmem:s14+$0x190] =	vst v2;
	s14 =	sadd.s32 $0x500, s14  }
0x4b: {  	v2 =	vadd.f32 v7, v0;
	v7 =	vld [tilespmem:s18+$0x40];
	[tilespmem:s14+$0x200] =	vst v9  }
0x4c: {  	[tilespmem:s14+$0xFFFFFE00] =	vst v5;
	v4 =	vadd.f32 v4, v0;
	v5 =	vld [tilespmem:s18+$0x90]  }
0x4d: {  	[tilespmem:s14+$0xFFFFFE80] =	vst v2;
	v2 =	vadd.f32 v3, v0;
	v3 =	vld [tilespmem:s18+$0x60]  }
0x4e: {  	v9 =	vld [tilespmem:s18+$0xFFFFFF60];
	[tilespmem:s14+$0xFFFFFF00] =	vst v4;
	v4 =	vadd.f32 v6, v0  }
0x4f: {  	v6 =	vld [tilespmem:s18+$0xFFFFFF90];
	[tilespmem:s14+$0xFFFFFF80] =	vst v2;
	v2 =	vadd.f32 v8, v0  }
0x50: {  	v8 =	vld [tilespmem:s18+$0xFFFFFFB0];
	[tilespmem:s14+$0x0] =	vst v4;
	v4 =	vadd.f32 v7, v0  }
0x51: {  	v7 =	vld [tilespmem:s18+$0xFFFFFFD0];
	[tilespmem:s14+$0x80] =	vst v2;
	v5 =	vadd.f32 v5, v1  }
0x52: {  	v10 =	vld [tilespmem:s18+$0xFFFFFFF0];
	[tilespmem:s14+$0x100] =	vst v4;
	v4 =	vadd.f32 v3, v0  }
.Ltmp0:
0x53: {  	v9 =	vadd.f32 v9, v0;
	v2 =	vld [tilespmem:s18+$0x10];
	[tilespmem:s14+$0x210] =	vst v5;
	(pc) =	sbr.rel @p0 .LBB2_3-.Ltmp0, $4  }
0x54: {  	v6 =	vadd.f32 v6, v1;
	v3 =	vld [tilespmem:s18+$0x30];
	[tilespmem:s14+$0x180] =	vst v4  }
0x55: {  	[tilespmem:s14+$0xFFFFFD80] =	vst v9;
	v9 =	vadd.f32 v8, v1;
	v4 =	vld [tilespmem:s18+$0x50]  }
0x56: {  	v5 =	vld [tilespmem:s18+$0xFFFFFF70];
	[tilespmem:s14+$0xFFFFFE10] =	vst v6;
	v8 =	vadd.f32 v7, v1  }
0x57: {  	[tilespmem:s14+$0xFFFFFE90] =	vst v9;
	v7 =	vadd.f32 v10, v1;
	v6 =	vld [tilespmem:s18+$0x70];
	s18 =	sadd.s32 $0x140, s18  }
0x58: {  	[tilespmem:s14+$0xFFFFFF10] =	vst v8;
	v2 =	vadd.f32 v2, v1  }
0x59: {  	[tilespmem:s14+$0xFFFFFF90] =	vst v7;
	v3 =	vadd.f32 v3, v1  }
0x5a: {  	[tilespmem:s14+$0x10] =	vst v2;
	v2 =	vadd.f32 v4, v1  }
0x5b: {  	p0 =	sgt.u32 s2, $0x77;
	v63 =	vadd.f32 v5, v1;
	[tilespmem:s14+$0x90] =	vst v3  }
0x5c: {  	p1 =	sne.s32 s12, $0x3;
	s17 =	sshll.u32 @!p0 s2, $0x7;
	[tilespmem:s14+$0x110] =	vst v2;
	v2 =	vadd.f32 v6, v1  }
0x5d: {  	s10 =	smul.u32 @!p1 $0xC8, s10;
	s17 =	sand.u32 @!p0 $0x3FFFFF80, s17;
	[tilespmem:s14+$0xFFFFFD90] =	vst v63  }
0x5e: {  	s2 =	sadd.s32 $0x1, s2;
	s12 =	sadd.s32 @!p0 $0x400, s17;
	[tilespmem:s14+$0x190] =	vst v2;
	s14 =	simm.s32 @!p0 $0x32  }
0x5f: {  	[tilespmem:s16], [sflag:s13] =	stream.indirect.gather @!p0 [hbm4b:s4+s14], $0x20, s12, s14, $0xb8;
	[tilespmem:$0x13A20] =	vst v63  }
0x60: {  	p0 =	sne.s32 s2, $0x80  }
.Ltmp1:
0x61: {  	s10 =	sadd.s32 @!p1 s7, s10;
	(pc) =	sbr.rel @p0 .LBB2_2-.Ltmp1, $4  }
0x62: {  	s10 =	sshll.u32 @!p1 s10, $0x4  }
0x63: {  	s0 =	sadd.s32 $0x1, s0;
	s31 =	sadd.s32 $0x1, s31;
	s10 =	sand.u32 @!p1 $0x1FFFFF80, s10  }
0x64: {  	s1 =	sadd.s32 @!p1 $0x9, s1;
	s10 =	sadd.s32 @!p1 s5, s10;
	s12 =	simm.s32 @!p1 $0x0  }
0x65: {  	[hbm4b:s10+s12] =	stream.linear.scatter @!p1 [tilespmem:s15], [sflag:s1], $0x6400, $0x38;
	[tilespmem:$0x13A20] =	vst v63  }
0x66: {  	s30 =	sadd.s32 $0x1, s30  }
0x67: {  	_ =	swait.ge [sflag:s28], $0x6400;
	p0 =	sne.s32 s30, s8  }
.Ltmp2:
0x68: {  	[sflag:s28] =	ssyncset.done $0x0;
	(pc) =	sbr.rel @p0 .LBB2_1-.Ltmp2, $4  }
0x69: {  	[sflag:s28] =	ssyncadd.s32 $0xFFFF9C00  }
0x6a: {  	_ =	swait.ge [sflag:s29], $0x6400  }
0x6b: {  	[sflag:s29] =	ssyncset.done $0x0  }
0x6c: {  	[sflag:s29] =	ssyncadd.s32 $0xFFFF9C00  }
0x6d: {  	_ =	sfence.sel $0x180000  }
0x6e: {  	[bflag:$0x0] =	sbarrier.arrive $0xFFFF  }
0x6f: {  	_ =	strace $0x90000047  }
0x70: {  	s0 =	stileid.u32;
	[bflag:$0x2] =	sbarrier.arrive $0xFFFF  }
0x71: {  	p0 =	sne.s32 s0, $0x0;
	s0 =	rddreg [dreg:$0x3]  }
0x72: {  	s0 =	sadd.s32 @!p0 $0x100000, s0  }
0x73: {  	[sflag:s0] =	ssyncadd.tile.s32 @!p0 $0x1;
	_ =	shalt  }
.Lfunc_end2:
_tile_overlayer_lowered:
.L_overlay_start_2:
0x74: {  	(tag) =	ssettag $0x2  }
0x75: {  	s0 =	rddreg [dreg:$0x0];
	s2 =	stileid.u32  }
0x76: {  	s1 =	rddreg [dreg:$0x1];
	p0 =	sne.s32 s2, $0x0  }
0x77: {  	s3 =	rddreg [dreg:$0x2];
	[bflag:$0x3] =	sbarrier.arrive $0xFFFF;
	s2 =	simm.s32 @!p0 $0x1C0B  }
0x78: {  	[timem:s3], [sflag:s2] =	dma.local @!p0 [hbm:s0], s1  }
0x79: {  	s0 =	simm.s32 @!p0 $0xB  }
0x7a: {  	_ =	swait.ge @!p0 [sflag:s0], s1  }
0x7b: {  	s1 =	ssub.s32 @!p0 $0x0, s1;
	[sflag:s0] =	ssyncset.done @!p0 $0x0  }
0x7c: {  	[sflag:s0] =	ssyncadd.s32 @!p0 s1  }
0x7d: {  	[bflag:$0x3] =	sbarrier.arrive $0xFFFF  }
0x7e: {  	_ =	shalt  }

</sc_bundles>
